<compile_context>
chip_gen: v7x
topology: tpu7x:2x2x1
jax: 0.10.2.dev20260603
libtpu: 0.0.44.dev20260713+nightly
codegen_flags: <defaults>
</compile_context>

<pallas_src>
import functools

import jax
import jax.numpy as jnp
from jax import lax
from jax.experimental import pallas as pl
from jax.experimental.pallas import tpu as pltpu
from jax.experimental.pallas import tpu_sc as plsc

_NSUB = 16
_LANES = 16
_NCHUNK = 8


def _diag_gather(x2d, idx2):
    nrows, hw = x2d.shape
    rows_per_sub = nrows // _NSUB
    chunk = hw // _NCHUNK
    assert chunk % _LANES == 0 and nrows % _NSUB == 0

    mesh = plsc.VectorSubcoreMesh(core_axis_name="c", subcore_axis_name="s")

    @functools.partial(
        pl.kernel,
        mesh=mesh,
        compiler_params=pltpu.CompilerParams(needs_layout_passes=False),
        out_type=jax.ShapeDtypeStruct((2, nrows, hw), jnp.float32),
        scratch_types=[
            pltpu.VMEM((hw,), jnp.int32),
            pltpu.VMEM((hw,), jnp.float32),
            pltpu.VMEM((chunk,), jnp.float32),
        ],
    )
    def k(x_hbm, idx_hbm, out_hbm, idx_v, rowv, obuf):
        c = lax.axis_index("c")
        s = lax.axis_index("s")
        base = s * rows_per_sub

        pltpu.sync_copy(idx_hbm.at[c], idx_v)

        def row_body(r, carry):
            row = base + r
            pltpu.sync_copy(x_hbm.at[row], rowv)

            def chunk_body(ch, carry2):
                @plsc.parallel_loop(0, chunk, step=_LANES, unroll=16)
                def _(v):
                    iv = idx_v[pl.ds(ch * chunk + v, _LANES)]
                    obuf[pl.ds(v, _LANES)] = plsc.load_gather(rowv, [iv])

                pltpu.sync_copy(
                    obuf, out_hbm.at[c, row, pl.ds(ch * chunk, chunk)])
                return carry2

            lax.fori_loop(0, _NCHUNK, chunk_body, 0)
            return carry

        lax.fori_loop(0, rows_per_sub, row_body, 0)

    return k(x2d, idx2)


def kernel(x, rd_index, ld_index):
    B, C, H, W = x.shape
    x2d = x.reshape(B * C, H * W)
    idx2 = jnp.stack([rd_index, ld_index]).astype(jnp.int32)
    out = _diag_gather(x2d, idx2)
    return out[0].reshape(B, C, H * W), out[1].reshape(B, C, H * W)

# --- scband reference (transcript-rebuilt; emitter-appended) ---
"""Pipeline reference for scband-fast-diag-scan-2860448219144 (READ-ONLY COPY).

The authoritative reference and input builder live on the scoring server;
editing this copy changes nothing except your own understanding.
"""

import jax, jax.numpy as jnp
import numpy as np


def build_diag_index(H, W, mode='rd'):
    index_map = []
    for d in range(H + W - 1):
        for i in range(H):
            j = d - i if mode == 'rd' else i - (H - 1 - d)
            if 0 <= j < W:
                index_map.append(i * W + j)
    return np.array(index_map, dtype=np.int64)


def setup_inputs(seed: int = 0):
    key = jax.random.key(seed)
    H, W = 224, 224
    B, C = 8, 96
    x = jax.random.normal(key, (B, C, H, W), dtype=jnp.float32)
    rd_index = jnp.asarray(build_diag_index(H, W, mode='rd'))
    ld_index = jnp.asarray(build_diag_index(H, W, mode='ld'))
    return {"x": x, "rd_index": rd_index, "ld_index": ld_index}


def reference(x, rd_index, ld_index):
    B, C, H, W = x.shape
    x_flat = x.reshape(B, C, H * W)
    rd = jnp.take(x_flat, rd_index, axis=2)
    ld = jnp.take(x_flat, ld_index, axis=2)
    return (rd, ld)

if __name__ == "__main__":
    import jax
    _d = setup_inputs()
    print(jax.jit(kernel)(*tuple(_d.values())))

</pallas_src>

<mosaic_0001>
#map = affine_map<(d0, d1) -> (0, 0)>
#map1 = affine_map<(d0, d1) -> (0, 0, 0)>
module attributes {stable_mosaic.version = 14 : i64} {
  func.func @k(%arg0: i32, %arg1: i32, %arg2: memref<768x50176xf32, #tpu.memory_space<hbm>>, %arg3: memref<2x50176xi32, #tpu.memory_space<hbm>>, %arg4: memref<2x768x50176xf32, #tpu.memory_space<hbm>>, %arg5: memref<50176xi32, #tpu.memory_space<vmem>>, %arg6: memref<50176xf32, #tpu.memory_space<vmem>>, %arg7: memref<6272xf32, #tpu.memory_space<vmem>>) attributes {dimension_semantics = [#tpu.dimension_semantics<core_parallel>, #tpu.dimension_semantics<subcore_parallel>], iteration_bounds = array<i64: 2, 16>, scalar_prefetch = 0 : i64, scratch_operands = 3 : i64, tpu.core_type = #tpu.core_type<sc_vector_subcore>, window_params = [{transform_indices = #map}, {transform_indices = #map}, {transform_indices = #map1}]} {
    %mul3A = arith.constant 48 : i32
    %mul3A_0 = arith.muli %arg1, %mul3A : i32
    "tpu.region"() ({
      %run_scoped3A = tpu.sem_alloc : memref<!tpu.dma_semaphore, #tpu.memory_space<semaphore_mem>>
      %dma_start3A = arith.constant 0 : i32
      %dma_start3A_6 = tpu.memref_slice %arg3[%arg0, %dma_start3A] : memref<2x50176xi32, #tpu.memory_space<hbm>> -> memref<1x50176xi32, #tpu.memory_space<hbm>>
      %dma_start3A_7 = tpu.memref_squeeze %dma_start3A_6 : memref<1x50176xi32, #tpu.memory_space<hbm>> -> memref<50176xi32, #tpu.memory_space<hbm>>
      %dma_start3A_8 = arith.constant 0 : i32
      %dma_start3A_9 = tpu.memref_slice %arg3[%arg0, %dma_start3A_8] : memref<2x50176xi32, #tpu.memory_space<hbm>> -> memref<1x50176xi32, #tpu.memory_space<hbm>>
      %dma_start3A_10 = tpu.memref_squeeze %dma_start3A_9 : memref<1x50176xi32, #tpu.memory_space<hbm>> -> memref<50176xi32, #tpu.memory_space<hbm>>
      tpu.enqueue_dma source(%dma_start3A_10 : memref<50176xi32, #tpu.memory_space<hbm>>) target(%arg5 : memref<50176xi32, #tpu.memory_space<vmem>>) target_semaphore(%run_scoped3A : memref<!tpu.dma_semaphore, #tpu.memory_space<semaphore_mem>>)
      %dma_wait3A = arith.constant 0 : i32
      %dma_wait3A_11 = tpu.memref_slice %arg3[%arg0, %dma_wait3A] : memref<2x50176xi32, #tpu.memory_space<hbm>> -> memref<1x50176xi32, #tpu.memory_space<hbm>>
      %dma_wait3A_12 = tpu.memref_squeeze %dma_wait3A_11 : memref<1x50176xi32, #tpu.memory_space<hbm>> -> memref<50176xi32, #tpu.memory_space<hbm>>
      %dma_wait3A_13 = arith.constant 0 : i32
      %dma_wait3A_14 = tpu.memref_slice %arg3[%arg0, %dma_wait3A_13] : memref<2x50176xi32, #tpu.memory_space<hbm>> -> memref<1x50176xi32, #tpu.memory_space<hbm>>
      %dma_wait3A_15 = tpu.memref_squeeze %dma_wait3A_14 : memref<1x50176xi32, #tpu.memory_space<hbm>> -> memref<50176xi32, #tpu.memory_space<hbm>>
      tpu.wait_dma2 semaphore(%run_scoped3A : memref<!tpu.dma_semaphore, #tpu.memory_space<semaphore_mem>>) src(%dma_wait3A_15 : memref<50176xi32, #tpu.memory_space<hbm>>) dst(%arg5 : memref<50176xi32, #tpu.memory_space<vmem>>)
      tpu.yield
    }) : () -> ()
    %scan3A = arith.constant 0 : i32
    %scan3A_1 = arith.constant 0 : i32
    %scan3A_2 = arith.constant 48 : i32
    %scan3A_3 = arith.addi %scan3A_1, %scan3A_2 : i32
    %scan3A_4 = arith.constant 1 : i32
    scf.for %scan3A_6 = %scan3A_1 to %scan3A_3 step %scan3A_4  : i32 {
      %add3A = arith.addi %mul3A_0, %scan3A_6 : i32
      "tpu.region"() ({
        %run_scoped3A = tpu.sem_alloc : memref<!tpu.dma_semaphore, #tpu.memory_space<semaphore_mem>>
        %dma_start3A = arith.constant 0 : i32
        %dma_start3A_13 = tpu.memref_slice %arg2[%add3A, %dma_start3A] : memref<768x50176xf32, #tpu.memory_space<hbm>> -> memref<1x50176xf32, #tpu.memory_space<hbm>>
        %dma_start3A_14 = tpu.memref_squeeze %dma_start3A_13 : memref<1x50176xf32, #tpu.memory_space<hbm>> -> memref<50176xf32, #tpu.memory_space<hbm>>
        %dma_start3A_15 = arith.constant 0 : i32
        %dma_start3A_16 = tpu.memref_slice %arg2[%add3A, %dma_start3A_15] : memref<768x50176xf32, #tpu.memory_space<hbm>> -> memref<1x50176xf32, #tpu.memory_space<hbm>>
        %dma_start3A_17 = tpu.memref_squeeze %dma_start3A_16 : memref<1x50176xf32, #tpu.memory_space<hbm>> -> memref<50176xf32, #tpu.memory_space<hbm>>
        tpu.enqueue_dma source(%dma_start3A_17 : memref<50176xf32, #tpu.memory_space<hbm>>) target(%arg6 : memref<50176xf32, #tpu.memory_space<vmem>>) target_semaphore(%run_scoped3A : memref<!tpu.dma_semaphore, #tpu.memory_space<semaphore_mem>>)
        %dma_wait3A = arith.constant 0 : i32
        %dma_wait3A_18 = tpu.memref_slice %arg2[%add3A, %dma_wait3A] : memref<768x50176xf32, #tpu.memory_space<hbm>> -> memref<1x50176xf32, #tpu.memory_space<hbm>>
        %dma_wait3A_19 = tpu.memref_squeeze %dma_wait3A_18 : memref<1x50176xf32, #tpu.memory_space<hbm>> -> memref<50176xf32, #tpu.memory_space<hbm>>
        %dma_wait3A_20 = arith.constant 0 : i32
        %dma_wait3A_21 = tpu.memref_slice %arg2[%add3A, %dma_wait3A_20] : memref<768x50176xf32, #tpu.memory_space<hbm>> -> memref<1x50176xf32, #tpu.memory_space<hbm>>
        %dma_wait3A_22 = tpu.memref_squeeze %dma_wait3A_21 : memref<1x50176xf32, #tpu.memory_space<hbm>> -> memref<50176xf32, #tpu.memory_space<hbm>>
        tpu.wait_dma2 semaphore(%run_scoped3A : memref<!tpu.dma_semaphore, #tpu.memory_space<semaphore_mem>>) src(%dma_wait3A_22 : memref<50176xf32, #tpu.memory_space<hbm>>) dst(%arg6 : memref<50176xf32, #tpu.memory_space<vmem>>)
        tpu.yield
      }) : () -> ()
      %scan3A_7 = arith.constant 0 : i32
      %scan3A_8 = arith.constant 0 : i32
      %scan3A_9 = arith.constant 8 : i32
      %scan3A_10 = arith.addi %scan3A_8, %scan3A_9 : i32
      %scan3A_11 = arith.constant 1 : i32
      scf.for %scan3A_13 = %scan3A_8 to %scan3A_10 step %scan3A_11  : i32 {
        %parallel_loop3A = arith.constant 0 : i32
        %parallel_loop3A_14 = arith.constant 6272 : i32
        %parallel_loop3A_15 = arith.constant 16 : i32
        scf.for %parallel_loop3A_18 = %parallel_loop3A to %parallel_loop3A_14 step %parallel_loop3A_15  : i32 {
          %parallel_loop3A_19 = arith.constant 6272 : i32
          %parallel_loop3A_20 = arith.muli %scan3A_13, %parallel_loop3A_19 : i32
          %parallel_loop3A_21 = arith.addi %parallel_loop3A_20, %parallel_loop3A_18 : i32
          %parallel_loop3A_22 = arith.index_cast %parallel_loop3A_21 : i32 to index
          %parallel_loop3A_23 = tpu.vector_load %arg5[%parallel_loop3A_22] {strides = array<i32>} : memref<50176xi32, #tpu.memory_space<vmem>>, vector<16xi32>,
          %parallel_loop3A_24 = tpu.vector_load_idx %arg6[%parallel_loop3A_23] : memref<50176xf32, #tpu.memory_space<vmem>>[vector<16xi32>], vector<16xf32>,
          %parallel_loop3A_25 = arith.index_cast %parallel_loop3A_18 : i32 to index
          %parallel_loop3A_26 = tpu.vector_load %arg7[%parallel_loop3A_25] {strides = array<i32>} : memref<6272xf32, #tpu.memory_space<vmem>>, vector<16xf32>,
          tpu.vector_store %arg7[%parallel_loop3A_25], %parallel_loop3A_24 {strides = array<i32>} : memref<6272xf32, #tpu.memory_space<vmem>>, vector<16xf32>,
        } {sc.loop_unroll_factor = 16 : i64, sc.parallel_access}
        %mul3A_16 = arith.constant 6272 : i32
        %mul3A_17 = arith.muli %scan3A_13, %mul3A_16 : i32
        "tpu.region"() ({
          %run_scoped3A = tpu.sem_alloc : memref<!tpu.dma_semaphore, #tpu.memory_space<semaphore_mem>>
          %dma_start3A = tpu.memref_slice %arg4[%arg0, %add3A, %mul3A_17] : memref<2x768x50176xf32, #tpu.memory_space<hbm>> -> memref<1x1x6272xf32, #tpu.memory_space<hbm>>
          %dma_start3A_18 = tpu.memref_squeeze %dma_start3A : memref<1x1x6272xf32, #tpu.memory_space<hbm>> -> memref<6272xf32, #tpu.memory_space<hbm>>
          %dma_start3A_19 = tpu.memref_slice %arg4[%arg0, %add3A, %mul3A_17] : memref<2x768x50176xf32, #tpu.memory_space<hbm>> -> memref<1x1x6272xf32, #tpu.memory_space<hbm>>
          %dma_start3A_20 = tpu.memref_squeeze %dma_start3A_19 : memref<1x1x6272xf32, #tpu.memory_space<hbm>> -> memref<6272xf32, #tpu.memory_space<hbm>>
          tpu.enqueue_dma source(%arg7 : memref<6272xf32, #tpu.memory_space<vmem>>) target(%dma_start3A_20 : memref<6272xf32, #tpu.memory_space<hbm>>) target_semaphore(%run_scoped3A : memref<!tpu.dma_semaphore, #tpu.memory_space<semaphore_mem>>)
          %dma_wait3A = tpu.memref_slice %arg4[%arg0, %add3A, %mul3A_17] : memref<2x768x50176xf32, #tpu.memory_space<hbm>> -> memref<1x1x6272xf32, #tpu.memory_space<hbm>>
          %dma_wait3A_21 = tpu.memref_squeeze %dma_wait3A : memref<1x1x6272xf32, #tpu.memory_space<hbm>> -> memref<6272xf32, #tpu.memory_space<hbm>>
          %dma_wait3A_22 = tpu.memref_slice %arg4[%arg0, %add3A, %mul3A_17] : memref<2x768x50176xf32, #tpu.memory_space<hbm>> -> memref<1x1x6272xf32, #tpu.memory_space<hbm>>
          %dma_wait3A_23 = tpu.memref_squeeze %dma_wait3A_22 : memref<1x1x6272xf32, #tpu.memory_space<hbm>> -> memref<6272xf32, #tpu.memory_space<hbm>>
          tpu.wait_dma2 semaphore(%run_scoped3A : memref<!tpu.dma_semaphore, #tpu.memory_space<semaphore_mem>>) src(%arg7 : memref<6272xf32, #tpu.memory_space<vmem>>) dst(%dma_wait3A_23 : memref<6272xf32, #tpu.memory_space<hbm>>)
          tpu.yield
        }) : () -> ()
      }
      %scan3A_12 = arith.constant 8 : i32
    }
    %scan3A_5 = arith.constant 48 : i32
    return
  }
}

</mosaic_0001>

<sc_bundles>
// kernel: kernel.3.cloned.1.call-start
scs
__scs_entry_jumppad:
0x0: {  	(pc) =	sbr.rel $0x88, $3  }
0x1: {  	(tag) =	ssettag $0x0;
	lr =	simm.s32 $0x1  }
0x2: {  	[smem:$0x3F9E] =	sst lr;
	_ =	strace $0xD0000000  }
0x3: {  	_ = 	snop  }
0x4: {  	_ = 	snop  }
0x5: {  	_ = 	snop  }
0x6: {  	_ = 	snop  }
0x7: {  	_ = 	snop  }
__scs_overlays_trampoline_lowered:
0x8: {  	[smem:$0x3FAD] =	sst s0  }
0x9: {  	[smem:$0x3FAE] =	sst s1  }
0xa: {  	[smem:$0x3FAF] =	sst s2  }
0xb: {  	[smem:$0x3FB0] =	sst s3  }
0xc: {  	[smem:$0x3FB1] =	sst s4  }
0xd: {  	[smem:$0x3FB2] =	sst s5  }
0xe: {  	[smem:$0x3FB3] =	sst s6  }
0xf: {  	[smem:$0x3FB4] =	sst s7  }
0x10: {  	[smem:$0x3FB5] =	sst s8  }
0x11: {  	[smem:$0x3FB6] =	sst s9;
	s0 =	simm.s32 @!p0 $0x0  }
0x12: {  	s1 =	sld [smem:$0x3F9C];
	s0 =	simm.s32 @p0 $0x1  }
0x13: {  	[smem:$0x3FB7] =	sst s0;
	s0 =	simm.s32 @!p1 $0x0  }
0x14: {  	s2 =	sld [smem:$0x3F9B];
	s0 =	simm.s32 @p1 $0x1  }
0x15: {  	[smem:$0x3FB8] =	sst s0;
	s0 =	simm.s32 @!p2 $0x0  }
0x16: {  	s3 =	sld [smem:$0x3FDB];
	s0 =	simm.s32 @p2 $0x1  }
0x17: {  	s4 =	simm.s32 $0x1BF5;
	[smem:$0x3FBA] =	sst s0  }
0x18: {  	s0 =	sld [smem:$0x3F9D];
	_ =	swait.ge [sflag:s4], $0x0  }
0x19: {  	s7 =	sld [smem:$0x3F9E]  }
0x1a: {  	s8 =	sadd.s32 $0xFFFFE003, lr  }
0x1b: {  	s9 =	sadd.s32 $0xFFFFFEF7, lr;
	s5 =	simm.s32 $0xFFFFFFFF;
	p2 =	slt.u32 s8, $0xFFFFF086  }
0x1c: {  	p1 =	slt.u32 s9, $0xF7A;
	s5 =	simm.s32 @!p2 $0x0  }
0x1d: {  	s5 =	simm.s32 @p1 $0x1;
	p0 =	seq.s32 s7, s2  }
0x1e: {  	s7 =	smul.u32 @!p0 $0xF7A, s2;
	p2 =	seq.s32 @!p0 s5, $0x0  }
0x1f: {  	s9 =	smul.u32 $0xF7A, s1;
	s8 =	simm.s32 @!p0 $0x1BF5;
	p2 =	por !p2, p0  }
0x20: {  	[sflag:s8] =	ssyncset.s32 @!p0 $0xFFFFF086;
	s6 =	sadd.s32 @!p0 s3, s7;
	s7 =	simm.s32 @!p0 $0x108  }
0x21: {  	s3 =	sadd.s32 s3, s9;
	s6 =	sadd.s32 @!p0 $0x88, s6;
	s7 =	simm.s32 @p2 $0x1082  }
0x22: {  	[simem:s7], [sflag:s8] =	dma.local @!p0 [hbm:s6], $0xF7A  }
0x23: {  	s9 =	sor.u32 $0xD0000000, s2;
	s6 =	simm.s32 $0x108;
	_ =	swait.ge @!p0 [sflag:s8], $0x0  }
0x24: {  	s3 =	sadd.s32 $0x88, s3;
	s6 =	simm.s32 @!p1 $0x1082;
	[sflag:s4] =	ssyncset.s32 $0xFFFFF086  }
0x25: {  	[simem:s6], [sflag:s4] =	dma.local [hbm:s3], $0xF7A  }
0x26: {  	[smem:$0x3F9E] =	sst s1;
	(tag) =	ssettag s2;
	_ =	strace s9  }
0x27: {  	s1 =	sld [smem:$0x3FAE]  }
0x28: {  	s2 =	sld [smem:$0x3FAF]  }
0x29: {  	s4 =	sld [smem:$0x3FB1]  }
0x2a: {  	p0 =	seq.s32 s5, $0x0;
	s5 =	sld [smem:$0x3FB2]  }
0x2b: {  	s6 =	sld [smem:$0x3FB3]  }
0x2c: {  	s7 =	sld [smem:$0x3FB4]  }
0x2d: {  	s3 =	simm.s32 $0x108;
	s8 =	sld [smem:$0x3FB5]  }
0x2e: {  	s3 =	simm.s32 @!p0 $0x1082;
	s9 =	sld [smem:$0x3FB6]  }
0x2f: {  	lr =	sadd.s32 s0, s3;
	s0 =	sld [smem:$0x3FAD]  }
0x30: {  	s3 =	sld [smem:$0x3FB0]  }
0x31: {  	[smem:$0x3FB9] =	sst s10  }
0x32: {  	s10 =	sld [smem:$0x3FB7];
	_ =	sdelay $0x3  }
0x33: {  	p0 =	seq.s32 s10, $0x1;
	s10 =	sld [smem:$0x3FB9];
	_ =	sdelay $0x3  }
0x34: {  	[smem:$0x3FB9] =	sst s10  }
0x35: {  	s10 =	sld [smem:$0x3FB8];
	_ =	sdelay $0x3  }
0x36: {  	p1 =	seq.s32 s10, $0x1;
	s10 =	sld [smem:$0x3FB9];
	_ =	sdelay $0x3  }
0x37: {  	[smem:$0x3FB9] =	sst s10  }
0x38: {  	s10 =	sld [smem:$0x3FBA]  }
0x39: {  	_ = 	snop;
	(pc) =	sbr.ind lr, $3  }
0x3a: {  	_ = 	snop  }
0x3b: {  	_ = 	snop  }
0x3c: {  	p2 =	seq.s32 s10, $0x1;
	s10 =	sld [smem:$0x3FB9]  }
0x3d: {  	_ =	shalt  }
0x3e: {  	_ =	shalt  }
0x3f: {  	_ =	shalt  }
0x40: {  	_ =	shalt  }
0x41: {  	_ =	shalt  }
0x42: {  	_ =	shalt  }
0x43: {  	_ =	shalt  }
0x44: {  	_ =	shalt  }
0x45: {  	_ =	shalt  }
0x46: {  	_ =	shalt  }
0x47: {  	_ =	shalt  }
0x48: {  	_ =	shalt  }
0x49: {  	_ =	shalt  }
0x4a: {  	_ =	shalt  }
0x4b: {  	_ =	shalt  }
0x4c: {  	_ =	shalt  }
0x4d: {  	_ =	shalt  }
0x4e: {  	_ =	shalt  }
0x4f: {  	_ =	shalt  }
0x50: {  	_ =	shalt  }
0x51: {  	_ =	shalt  }
0x52: {  	_ =	shalt  }
0x53: {  	_ =	shalt  }
0x54: {  	_ =	shalt  }
0x55: {  	_ =	shalt  }
0x56: {  	_ =	shalt  }
0x57: {  	_ =	shalt  }
0x58: {  	_ =	shalt  }
0x59: {  	_ =	shalt  }
0x5a: {  	_ =	shalt  }
0x5b: {  	_ =	shalt  }
0x5c: {  	_ =	shalt  }
0x5d: {  	_ =	shalt  }
0x5e: {  	_ =	shalt  }
0x5f: {  	_ =	shalt  }
0x60: {  	_ =	shalt  }
0x61: {  	_ =	shalt  }
0x62: {  	_ =	shalt  }
0x63: {  	_ =	shalt  }
0x64: {  	_ =	shalt  }
0x65: {  	_ =	shalt  }
0x66: {  	_ =	shalt  }
0x67: {  	_ =	shalt  }
0x68: {  	_ =	shalt  }
0x69: {  	_ =	shalt  }
0x6a: {  	_ =	shalt  }
0x6b: {  	_ =	shalt  }
0x6c: {  	_ =	shalt  }
0x6d: {  	_ =	shalt  }
0x6e: {  	_ =	shalt  }
0x6f: {  	_ =	shalt  }
0x70: {  	_ =	shalt  }
0x71: {  	_ =	shalt  }
0x72: {  	_ =	shalt  }
0x73: {  	_ =	shalt  }
0x74: {  	_ =	shalt  }
0x75: {  	_ =	shalt  }
0x76: {  	_ =	shalt  }
0x77: {  	_ =	shalt  }
0x78: {  	_ =	shalt  }
0x79: {  	_ =	shalt  }
0x7a: {  	_ =	shalt  }
0x7b: {  	_ =	shalt  }
0x7c: {  	_ =	shalt  }
0x7d: {  	_ =	shalt  }
0x7e: {  	_ =	shalt  }
0x7f: {  	_ =	shalt  }
0x80: {  	_ =	shalt  }
0x81: {  	_ =	shalt  }
0x82: {  	_ =	shalt  }
0x83: {  	_ =	shalt  }
0x84: {  	_ =	shalt  }
0x85: {  	_ =	shalt  }
0x86: {  	_ =	shalt  }
0x87: {  	_ =	shalt  }
.Lfunc_end0:
.L_simem_size_0:
called_computation_lowered:
.L_overlay_start_0:
0x88: {  	s2 =	sld [smem:$0x3FD9]  }
0x89: {  	s3 =	sld [smem:$0x3FFE];
	_ =	sdelay $0x1  }
0x8a: {  	s1 =	srdreg.scid  }
0x8b: {  	s0 =	sand.u32 $0x1, s1  }
0x8c: {  	s14 =	sshll.u32 s0, $0xA;
	s2 =	sadd.s32 s3, s2  }
0x8d: {  	s2 =	sadd.s32 s2, s14  }
0x8e: {  	[smem:$0x3FC5] =	sst s2  }
0x8f: {  	_ = 	snop  }
0x90: {  	s2 =	sld [smem:$0x3FD0];
	_ =	sdelay $0x2  }
0x91: {  	s15 =	simm.s32 $0xA;
	s4 =	simm.s32 $0x10  }
0x92: {  	[smem:s4], [sflag:s15] =	dma.local [hbm:s2], $0x1  }
0x93: {  	_ =	swait.eq [sflag:s15], $0x1  }
0x94: {  	[sflag:s15] =	ssyncset.done $0x0  }
0x95: {  	s16 =	sld [smem:$0x10];
	[sflag:s15] =	ssyncadd.s32 $0xFFFFFFFF  }
0x96: {  	s17 =	sld [smem:$0x11];
	(tm) =	ssettm $0x1  }
0x97: {  	s18 =	sld [smem:$0x3FFB];
	_ =	sdelay $0x3  }
0x98: {  	_ =	strace s18  }
0x99: {  	s4 =	sld [smem:$0x3FFC];
	_ =	sdelay $0x3  }
0x9a: {  	_ =	strace s4  }
0x9b: {  	s4 =	sld [smem:$0x3FFD];
	_ =	sdelay $0x3  }
0x9c: {  	_ =	strace s4  }
0x9d: {  	_ =	strace $0x8FFFFFFF  }
0x9e: {  	s19 =	sld [smem:$0x3FDB];
	_ =	sdelay $0x1  }
0x9f: {  	s5 =	simm.s32 $_scs_section_size  }
0xa0: {  	s6 =	simm.s32 $_size__tile_overlayer_lowered;
	s7 =	simm.s32 $_tile_overlayer_lowered  }
0xa1: {  	s22 =	simm.s32 $0x1BFF;
	s21 =	sshll.u32 s7, $0x1;
	s4 =	sadd.s32 s5, s19  }
0xa2: {  	s8 =	simm.s32 $0x0;
	s20 =	sshll.u32 s6, $0x1;
	s6 =	sadd.s32 s21, s4  }
0xa3: {  	[timem:s8], [sflag:s22] =	dma.local [hbm:s6], s20  }
0xa4: {  	_ =	swait.ge [sflag:s22], s20  }
0xa5: {  	s5 =	ssub.s32 $0x0, s20;
	[sflag:s22] =	ssyncset.done $0x0  }
0xa6: {  	[sflag:s22] =	ssyncadd.s32 s5;
	_ =	sdelay $0x1  }
0xa7: {  	s23 =	simm.s32 $0x1B8B  }
0xa8: {  	_ =	swait.ge [sflag:s23], $0x1  }
0xa9: {  	[sflag:s23] =	ssyncset.done $0x0  }
0xaa: {  	s25 =	simm.s32 $0x1B8E;
	s24 =	sld [smem:$0x3FFE];
	[sflag:s23] =	ssyncadd.s32 $0xFFFFFFFF  }
0xab: {  	s26 =	simm.s32 $execute0_lowered;
	[smem:$0x3FD2] =	sst s25  }
0xac: {  	s6 =	sshll.u32 s26, $0x1;
	_ =	strace $0x80000046;
	[dreg:$0x1] =	wrdreg $0xFFFFFFFF  }
0xad: {  	s28 =	simm.s32 $_size_execute0_lowered;
	s4 =	sadd.s32 s4, s6;
	[dreg:$0x0] =	wrdreg $0x0  }
0xae: {  	s6 =	sshll.u32 s28, $0x1;
	[dreg:$0x2] =	wrdreg s4  }
0xaf: {  	[dreg:$0x3] =	wrdreg s6  }
0xb0: {  	[dreg:$0x4] =	wrdreg $0xC0  }
0xb1: {  	_ =	task [dreg:s8], $0x5FFFF  }
0xb2: {  	[dreg:$0x1] =	wrdreg $0xFFFFFFFF  }
0xb3: {  	[dreg:$0x0] =	wrdreg $0x60  }
0xb4: {  	[dreg:$0x2] =	wrdreg s16  }
0xb5: {  	[dreg:$0x3] =	wrdreg s17  }
0xb6: {  	[dreg:$0x4] =	wrdreg s24  }
0xb7: {  	[dreg:$0x5] =	wrdreg $0x9  }
0xb8: {  	_ =	task.clear_ibuf [dreg:s8], $0x6FFFF;
	_ =	strace $0x90000046  }
0xb9: {  	s29 =	simm.s32 $0x9;
	_ =	strace $0x80000048  }
0xba: {  	_ =	swait.ge [sflag:s29], $0x1  }
0xbb: {  	[sflag:s29] =	ssyncadd.s32 $0xFFFFFFFF  }
0xbc: {  	_ =	strace $0x90000048  }
0xbd: {  	_ =	sfence  }
0xbe: {  	s30 =	sld [smem:$0x0];
	_ =	sdelay $0x2  }
0xbf: {  	s31 =	sshll.u32 s1, $0xD;
	s1 =	sshrl.u32 s1, $0x2  }
0xc0: {  	s3 =	sand.u32 $0x4000, s31;
	s1 =	sadd.s32 s1, s30  }
0xc1: {  	s0 =	sor.u32 s3, s0;
	s1 =	sshll.u32 s1, $0x11  }
0xc2: {  	s0 =	sor.u32 s1, s0  }
0xc3: {  	s0 =	sadd.s32 $0x8F2B, s0  }
0xc4: {  	[sflag:s0] =	ssyncadd.remote.s32 $0x1  }
0xc5: {  	_ =	sfence.sel $0xFFFF  }
0xc6: {  	[dreg:$0x0] =	wrdreg $0xFFFFFFFF;
	(pc) =	sbr.abs _section_cstart, $3  }
0xc7: {  	[dreg:$0x1] =	wrdreg $0xFFFFFFFF  }
0xc8: {  	_ =	task.clear_ibuf [dreg:s8], $0x2FFFF;
	_ =	strace $0x9FFFFFFF  }
0xc9: {  	(tm) =	ssettm $0x7FFFFFFF  }
tec
execute0_lowered:
.L_overlay_start_1:
0x0: {  	(tag) =	ssettag $0x1  }
0x1: {  	s1 =	rddreg [dreg:$0x0]  }
0x2: {  	s6 =	rddreg [dreg:$0x1]  }
0x3: {  	s3 =	rddreg [dreg:$0x2]  }
0x4: {  	s0 =	rddreg [dreg:$0x3];
	s2 =	simm.s32 $0x0  }
0x5: {  	s4 =	srdreg.scid;
	s10 =	simm.s32 $0x100;
	s11 =	simm.s32 $0x1  }
0x6: {  	s12 =	simm.s32 $0x400;
	s13 =	simm.s32 $0xC400;
	s14 =	simm.s32 $0x18800  }
0x7: {  	s15 =	simm.s32 $0x0;
	[smem:$0x7FF] =	sst s2;
	s7 =	sand.u32 $0x1, s4  }
0x8: {  	s4 =	sadd.s32 $0xA00, s3;
	s3 =	stileid.u32;
	s5 =	ssub.s32 $0x2, s7  }
0x9: {  	_ =	strace $0x80000047;
	s9 =	sshll.u32 s7, $0x4;
	s8 =	sshrl.u32 s5, $0x1  }
0xa: {  	s7 =	smul.u32 $0x24C0000, s7;
	s6 =	sadd.s32 s6, s9;
	s8 =	ssub.s32 s5, s8  }
0xb: {  	s9 =	simm.s32 $0x80;
	s5 =	smul.u32 $0x30, s3;
	s8 =	smax.u32 s8, $0x1  }
.LBB2_1:
0xc: {  	[tilespmem:s2], [sflag:$0x1] =	stream.strided.gather [hbm4b:s6+s9], $0xC400, s10, s9, $0x38;
	[tilespmem:$0x1A080] =	vst v63  }
0xd: {  	_ =	swait.ge [sflag:s11], $0xC400  }
0xe: {  	[sflag:s11] =	ssyncset.done $0x0  }
0xf: {  	s16 =	simm.s32 $0x0;
	[sflag:s11] =	ssyncadd.s32 $0xFFFF3C00  }
.LBB2_2:
0x10: {  	s17 =	sadd.s32 s5, s16  }
0x11: {  	s17 =	sshrl.u32 s17, $0x3  }
0x12: {  	s18 =	sshll.u32 s16, $0x7;
	s17 =	smul.u32 $0x62000, s17  }
0x13: {  	s18 =	sand.u32 $0x380, s18  }
0x14: {  	s18 =	sor.u32 s18, s17  }
0x15: {  	s17 =	sshrl.u32 s18, $0x3  }
0x16: {  	s19 =	sadd.s32 s1, s17;
	s17 =	simm.s32 $0x80  }
0x17: {  	[tilespmem:s13], [sflag:$0x1] =	stream.strided.gather [hbm4b:s19+s17], $0xC400, s12, s17, $0x38;
	[tilespmem:$0x1A080] =	vst v63  }
0x18: {  	_ =	swait.ge [sflag:s11], $0xC400  }
0x19: {  	s20 =	simm.s32 $0x1800;
	[sflag:s11] =	ssyncset.done $0x0  }
0x1a: {  	s18 =	sadd.s32 s18, s7;
	s19 =	simm.s32 $0x0;
	[sflag:s11] =	ssyncadd.s32 $0xFFFF3C00  }
.LBB2_3:
0x1b: {  	v0 =	vld [tilespmem:s17+$0x70]  }
0x1c: {  	v1 =	vld [tilespmem:s17+$0xFFFFFF90]  }
0x1d: {  	v2 =	vld [tilespmem:s17+$0xFFFFFFA0]  }
0x1e: {  	v3 =	vld [tilespmem:s17+$0xFFFFFFB0]  }
0x1f: {  	v4 =	vld [tilespmem:s17+$0xFFFFFFC0]  }
0x20: {  	v5 =	vld [tilespmem:s17+$0xFFFFFFD0]  }
0x21: {  	v6 =	vld [tilespmem:s17+$0xFFFFFFE0]  }
0x22: {  	v7 =	vld [tilespmem:s17+$0xFFFFFFF0]  }
0x23: {  	v8 =	vld [tilespmem:s17+$0x0]  }
0x24: {  	v9 =	vld [tilespmem:s17+$0x10]  }
0x25: {  	v10 =	vld [tilespmem:s17+$0x20]  }
0x26: {  	v11 =	vld [tilespmem:s17+$0x30]  }
0x27: {  	v12 =	vld [tilespmem:s17+$0x40]  }
0x28: {  	v13 =	vld [tilespmem:s17+$0x50]  }
0x29: {  	v14 =	vld [tilespmem:s17+$0x60]  }
0x2a: {  	v15 =	vld [tilespmem:s17+$0xFFFFFF80]  }
0x2b: {  	v0 =	vld.idx.msk [tilespmem:v0+s13+$0x0], $0xffff  }
0x2c: {  	v1 =	vld.idx.msk [tilespmem:v1+s13+$0x0], $0xffff  }
0x2d: {  	v2 =	vld.idx.msk [tilespmem:v2+s13+$0x0], $0xffff  }
0x2e: {  	v3 =	vld.idx.msk [tilespmem:v3+s13+$0x0], $0xffff  }
0x2f: {  	v4 =	vld.idx.msk [tilespmem:v4+s13+$0x0], $0xffff  }
0x30: {  	s21 =	simm.s32 $0x18880;
	v5 =	vld.idx.msk [tilespmem:v5+s13+$0x0], $0xffff  }
0x31: {  	v6 =	vld.idx.msk [tilespmem:v6+s13+$0x0], $0xffff;
	[tilespmem:s21+$0x70] =	vst v0  }
0x32: {  	v7 =	vld.idx.msk [tilespmem:v7+s13+$0x0], $0xffff;
	[tilespmem:s21+$0xFFFFFF90] =	vst v1  }
0x33: {  	v15 =	vld.idx.msk [tilespmem:v15+s13+$0x0], $0xffff;
	[tilespmem:s21+$0xFFFFFFA0] =	vst v2  }
0x34: {  	v8 =	vld.idx.msk [tilespmem:v8+s13+$0x0], $0xffff;
	[tilespmem:s21+$0xFFFFFFB0] =	vst v3  }
0x35: {  	[tilespmem:s21+$0xFFFFFFC0] =	vst v4;
	v0 =	vld.idx.msk [tilespmem:v9+s13+$0x0], $0xffff  }
0x36: {  	[tilespmem:s21+$0xFFFFFFD0] =	vst v5;
	v1 =	vld.idx.msk [tilespmem:v10+s13+$0x0], $0xffff  }
0x37: {  	[tilespmem:s21+$0xFFFFFFE0] =	vst v6;
	v2 =	vld.idx.msk [tilespmem:v11+s13+$0x0], $0xffff  }
0x38: {  	[tilespmem:s21+$0xFFFFFFF0] =	vst v7;
	v3 =	vld.idx.msk [tilespmem:v12+s13+$0x0], $0xffff  }
0x39: {  	s24 =	simm.s32 $0x0;
	[tilespmem:s21+$0xFFFFFF80] =	vst v15;
	v4 =	vld.idx.msk [tilespmem:v13+s13+$0x0], $0xffff  }
0x3a: {  	s22 =	simm.s32 $0x17F0;
	s23 =	simm.s32 $0x1A000;
	s25 =	sadd.s32 $0x100, s17;
	[tilespmem:s21+$0x0] =	vst v8;
	v5 =	vld.idx.msk [tilespmem:v14+s13+$0x0], $0xffff  }
.LBB2_4:
0x3b: {  	v6 =	vld [tilespmem:s25+$0x70];
	s24 =	sadd.s32 $0x100, s24;
	[tilespmem:s21+$0x10] =	vst v0  }
0x3c: {  	v0 =	vld [tilespmem:s25+$0xFFFFFF90];
	p0 =	slt.u32 s24, $0x1700;
	[tilespmem:s21+$0x20] =	vst v1  }
0x3d: {  	v1 =	vld [tilespmem:s25+$0xFFFFFFA0];
	[tilespmem:s21+$0x30] =	vst v2  }
0x3e: {  	v2 =	vld [tilespmem:s25+$0xFFFFFFB0];
	[tilespmem:s21+$0x40] =	vst v3  }
0x3f: {  	v3 =	vld [tilespmem:s25+$0xFFFFFFC0];
	[tilespmem:s21+$0x50] =	vst v4  }
0x40: {  	v4 =	vld [tilespmem:s25+$0xFFFFFFD0];
	[tilespmem:s21+$0x60] =	vst v5  }
0x41: {  	v5 =	vld [tilespmem:s25+$0xFFFFFFE0]  }
0x42: {  	v7 =	vld [tilespmem:s25+$0xFFFFFFF0]  }
0x43: {  	v6 =	vld.idx.msk [tilespmem:v6+s13+$0x0], $0xffff  }
0x44: {  	v8 =	vld [tilespmem:s25+$0x0]  }
0x45: {  	v9 =	vld [tilespmem:s25+$0x10]  }
0x46: {  	v10 =	vld [tilespmem:s25+$0x20]  }
0x47: {  	v11 =	vld [tilespmem:s25+$0x30]  }
0x48: {  	s21 =	sadd.s32 $0x100, s21;
	v12 =	vld [tilespmem:s25+$0x40]  }
0x49: {  	s26 =	simm.s32 $0x0;
	v13 =	vld [tilespmem:s25+$0x50];
	[tilespmem:s21+$0x70] =	vst v6  }
0x4a: {  	v6 =	vld [tilespmem:s25+$0x60]  }
0x4b: {  	v14 =	vld [tilespmem:s25+$0xFFFFFF80]  }
0x4c: {  	v0 =	vld.idx.msk [tilespmem:v0+s13+$0x0], $0xffff  }
0x4d: {  	v1 =	vld.idx.msk [tilespmem:v1+s13+$0x0], $0xffff  }
0x4e: {  	v2 =	vld.idx.msk [tilespmem:v2+s13+$0x0], $0xffff  }
0x4f: {  	v3 =	vld.idx.msk [tilespmem:v3+s13+$0x0], $0xffff  }
0x50: {  	v4 =	vld.idx.msk [tilespmem:v4+s13+$0x0], $0xffff  }
0x51: {  	v5 =	vld.idx.msk [tilespmem:v5+s13+$0x0], $0xffff  }
0x52: {  	[tilespmem:s21+$0xFFFFFF90] =	vst v0;
	v7 =	vld.idx.msk [tilespmem:v7+s13+$0x0], $0xffff  }
0x53: {  	v14 =	vld.idx.msk [tilespmem:v14+s13+$0x0], $0xffff;
	[tilespmem:s21+$0xFFFFFFA0] =	vst v1  }
0x54: {  	[tilespmem:s21+$0xFFFFFFB0] =	vst v2;
	v8 =	vld.idx.msk [tilespmem:v8+s13+$0x0], $0xffff  }
0x55: {  	[tilespmem:s21+$0xFFFFFFC0] =	vst v3;
	v0 =	vld.idx.msk [tilespmem:v9+s13+$0x0], $0xffff  }
.Ltmp0:
0x56: {  	[tilespmem:s21+$0xFFFFFFD0] =	vst v4;
	v1 =	vld.idx.msk [tilespmem:v10+s13+$0x0], $0xffff;
	(pc) =	sbr.rel @p0 .LBB2_4-.Ltmp0, $4  }
0x57: {  	[tilespmem:s21+$0xFFFFFFE0] =	vst v5;
	v2 =	vld.idx.msk [tilespmem:v11+s13+$0x0], $0xffff  }
0x58: {  	[tilespmem:s21+$0xFFFFFFF0] =	vst v7;
	v3 =	vld.idx.msk [tilespmem:v12+s13+$0x0], $0xffff  }
0x59: {  	[tilespmem:s21+$0xFFFFFF80] =	vst v14;
	v4 =	vld.idx.msk [tilespmem:v13+s13+$0x0], $0xffff  }
0x5a: {  	s25 =	sadd.s32 $0x100, s25;
	[tilespmem:s21+$0x0] =	vst v8;
	v5 =	vld.idx.msk [tilespmem:v6+s13+$0x0], $0xffff  }
0x5b: {  	[tilespmem:s21+$0x10] =	vst v0  }
0x5c: {  	[tilespmem:s21+$0x20] =	vst v1  }
0x5d: {  	[tilespmem:s21+$0x30] =	vst v2  }
0x5e: {  	[tilespmem:s21+$0x40] =	vst v3  }
0x5f: {  	[tilespmem:s21+$0x50] =	vst v4  }
0x60: {  	[tilespmem:s21+$0x60] =	vst v5;
	s21 =	smov.u32 s20  }
.LBB2_6:
0x61: {  	s24 =	sand.u32 $0x3FFFFF80, s21  }
0x62: {  	s24 =	sadd.s32 s24, s26  }
0x63: {  	v0 =	vld [tilespmem:s24+$0x0];
	_ =	sdelay $0x6  }
0x64: {  	s22 =	sadd.s32 $0x10, s22  }
0x65: {  	p0 =	slt.u32 s22, $0x1870;
	v0 =	vld.idx.msk [tilespmem:v0+s13+$0x0], $0xffff  }
.Ltmp1:
0x66: {  	_ = 	snop;
	(pc) =	sbr.rel @p0 .LBB2_6-.Ltmp1, $2  }
0x67: {  	_ =	sdelay $0x2  }
0x68: {  	s21 =	sadd.s32 $0x10, s21;
	s26 =	sadd.s32 $0x10, s26;
	[tilespmem:s23+$0x0] =	vst v0;
	s23 =	sadd.s32 $0x10, s23  }
0x69: {  	s21 =	smul.u32 $0xC400, s19;
	_ =	sdelay $0x1  }
0x6a: {  	s19 =	sadd.s32 $0x1, s19;
	s21 =	sadd.s32 s21, s18  }
0x6b: {  	p0 =	sne.s32 s19, $0x8;
	s21 =	sshrl.u32 s21, $0x3  }
.Ltmp2:
0x6c: {  	s21 =	sadd.s32 s4, s21;
	(pc) =	sbr.rel @p0 .LBB2_3-.Ltmp2, $4  }
0x6d: {  	[hbm4b:s21+s9] =	stream.strided.scatter [tilespmem:s14], [sflag:$0x1], $0x1880, s12, s9, $0x38;
	[tilespmem:$0x1A080] =	vst v63  }
0x6e: {  	_ =	swait.ge [sflag:s11], $0x1880  }
0x6f: {  	[sflag:s11] =	ssyncset.done $0x0  }
0x70: {  	s17 =	sadd.s32 $0x1880, s17;
	s20 =	sadd.s32 $0x1880, s20;
	[sflag:s11] =	ssyncadd.s32 $0xFFFFE780  }
0x71: {  	s16 =	sadd.s32 $0x1, s16  }
0x72: {  	p0 =	sne.s32 s16, $0x30  }
.Ltmp3:
0x73: {  	_ = 	snop;
	(pc) =	sbr.rel @p0 .LBB2_2-.Ltmp3, $1  }
0x74: {  	_ =	sdelay $0x3  }
0x75: {  	s15 =	sadd.s32 $0x1, s15  }
0x76: {  	p0 =	sne.s32 s15, s8  }
.Ltmp4:
0x77: {  	_ = 	snop;
	(pc) =	sbr.rel @p0 .LBB2_1-.Ltmp4, $1  }
0x78: {  	_ =	sdelay $0x3  }
0x79: {  	_ =	sfence.sel $0x180000  }
0x7a: {  	[bflag:$0x0] =	sbarrier.arrive $0xFFFF  }
0x7b: {  	p0 =	sne.s32 s3, $0x0;
	_ =	strace $0x90000047  }
0x7c: {  	s0 =	sadd.s32 @!p0 $0x100000, s0;
	[bflag:$0x2] =	sbarrier.arrive $0xFFFF  }
0x7d: {  	[sflag:s0] =	ssyncadd.tile.s32 @!p0 $0x1;
	_ =	shalt  }
.Lfunc_end2:
_tile_overlayer_lowered:
.L_overlay_start_2:
0x7e: {  	(tag) =	ssettag $0x2  }
0x7f: {  	s0 =	rddreg [dreg:$0x0];
	s2 =	stileid.u32  }
0x80: {  	s1 =	rddreg [dreg:$0x1];
	p0 =	sne.s32 s2, $0x0  }
0x81: {  	s3 =	rddreg [dreg:$0x2];
	[bflag:$0x3] =	sbarrier.arrive $0xFFFF;
	s2 =	simm.s32 @!p0 $0x1C01  }
0x82: {  	[timem:s3], [sflag:s2] =	dma.local @!p0 [hbm:s0], s1  }
0x83: {  	s0 =	simm.s32 @!p0 $0x1  }
0x84: {  	_ =	swait.ge @!p0 [sflag:s0], s1  }
0x85: {  	s1 =	ssub.s32 @!p0 $0x0, s1;
	[sflag:s0] =	ssyncset.done @!p0 $0x0  }
0x86: {  	[sflag:s0] =	ssyncadd.s32 @!p0 s1  }
0x87: {  	[bflag:$0x3] =	sbarrier.arrive $0xFFFF  }
0x88: {  	_ =	shalt  }

</sc_bundles>
